<compile_context>
chip_gen: v7x
topology: tpu7x:2x2x1
jax: 0.10.2.dev20260603
libtpu: 0.0.44.dev20260713+nightly
codegen_flags: <defaults>
</compile_context>

<pallas_src>
import functools

import jax
import jax.numpy as jnp
from jax import lax
from jax.experimental import pallas as pl
from jax.experimental.pallas import tpu as pltpu
from jax.experimental.pallas import tpu_sc as plsc

_LANES = 16
_NSUB = 16
_ROWS = 12500
_CHUNK = 784
_LAST = _ROWS - _CHUNK * (_NSUB - 1)
_ITERS = _CHUNK // 4
_ITERS_LAST = _LAST // 4


_HALF = _CHUNK // 2
_HALF_ITERS = _HALF // 4
_LAST_B = _LAST - _HALF
_LAST_B_ITERS = _LAST_B // 4


def _sum_body(gt_hbm, part_hbm, res_hbm, buf_v, accv_v, gather_v, outv_v, sem_a, sem_b):
    wid = lax.axis_index("s")
    base = pl.multiple_of(_CHUNK * wid, 8)
    base_b = pl.multiple_of(base + _HALF, 8)
    last = _NSUB - 1

    copy_a = pltpu.async_copy(gt_hbm.at[pl.ds(base, _HALF)],
                              buf_v.at[pl.ds(0, _HALF)], sem_a)

    @pl.when(wid < last)
    def _():
        pltpu.async_copy(gt_hbm.at[pl.ds(base_b, _HALF)],
                         buf_v.at[pl.ds(_HALF, _HALF)], sem_b)

    @pl.when(wid == last)
    def _():
        pltpu.async_copy(gt_hbm.at[pl.ds(base_b, _LAST_B)],
                         buf_v.at[pl.ds(_HALF, _LAST_B)], sem_b)

    zero = jnp.zeros((_LANES,), jnp.int32)

    def body(i, accs):
        a0, a1, a2, a3 = accs
        r = i * 4
        return (a0 + buf_v[r], a1 + buf_v[r + 1],
                a2 + buf_v[r + 2], a3 + buf_v[r + 3])

    copy_a.wait()
    accs = lax.fori_loop(0, _HALF_ITERS, body, (zero, zero, zero, zero))

    @pl.when(wid < last)
    def _():
        pltpu.make_async_copy(gt_hbm.at[pl.ds(base_b, _HALF)],
                              buf_v.at[pl.ds(_HALF, _HALF)], sem_b).wait()

    @pl.when(wid == last)
    def _():
        pltpu.make_async_copy(gt_hbm.at[pl.ds(base_b, _LAST_B)],
                              buf_v.at[pl.ds(_HALF, _LAST_B)], sem_b).wait()

    n_iters = jnp.where(wid == last, _HALF_ITERS + _LAST_B_ITERS,
                        2 * _HALF_ITERS)
    a0, a1, a2, a3 = lax.fori_loop(_HALF_ITERS, n_iters, body, accs)

    accv_v[...] = (a0 + a1) + (a2 + a3)
    pltpu.sync_copy(accv_v, part_hbm.at[wid])
    plsc.subcore_barrier()

    @pl.when(wid == 0)
    def _():
        pltpu.sync_copy(part_hbm, gather_v)
        total = gather_v[0]
        for i in range(1, _NSUB):
            total = total + gather_v[i]
        s = total[0]
        for i in range(1, _LANES):
            s = s + total[i]
        loss = jnp.where(s == 0, jnp.float32(0.0), s.astype(jnp.float32))
        outv_v[...] = jnp.full((_LANES,), loss, jnp.float32)
        pltpu.sync_copy(outv_v, res_hbm)


_sum_kernel = functools.partial(
    pl.kernel,
    out_type=(jax.ShapeDtypeStruct((_NSUB, _LANES), jnp.int32),
              jax.ShapeDtypeStruct((_LANES,), jnp.float32)),
    mesh=plsc.VectorSubcoreMesh(
        core_axis_name="c", subcore_axis_name="s", num_cores=1
    ),
    scratch_types=[
        pltpu.VMEM((_CHUNK, _LANES), jnp.int32),
        pltpu.VMEM((_LANES,), jnp.int32),
        pltpu.VMEM((_NSUB, _LANES), jnp.int32),
        pltpu.VMEM((_LANES,), jnp.float32),
        pltpu.SemaphoreType.DMA,
        pltpu.SemaphoreType.DMA,
    ],
    compiler_params=pltpu.CompilerParams(use_tc_tiling_on_sc=False,
                                         skip_device_barrier=True,
                                         disable_bounds_checks=True,
                                         disable_semaphore_checks=True),
)(_sum_body)


def kernel(new_t1_feats_list, new_t2_feats_list, gt_labels, edge_idxs,
           mask_trk_gt, edge_batch_idx_offsets):
    del new_t1_feats_list, new_t2_feats_list, edge_idxs
    del mask_trk_gt, edge_batch_idx_offsets
    gt_rows = gt_labels.reshape(_ROWS, _LANES)
    _, res = _sum_kernel(gt_rows)
    return res[0]

# --- scband reference (transcript-rebuilt; emitter-appended) ---
"""Pipeline reference for scband-node-ncehead-75350906241888 (READ-ONLY COPY).

The authoritative reference and input builder live on the scoring server;
editing this copy changes nothing except your own understanding.
"""

import jax, jax.numpy as jnp
import numpy as np

L = 4          # num_deep_loss (number of deep-supervision feature copies)
N1 = 50000     # num_t1_nodes
N2 = 50000     # num_t2_nodes
D = 128        # feature dim
E = 200000     # num edges (one direction)
TOPK_DET = 100
TEMPERATURE = 0.07


def _normalize(x, eps=1e-12):
    # matches torch F.normalize(x, dim=1): x / max(||x||_2, eps)
    n = jnp.sqrt(jnp.sum(x * x, axis=1, keepdims=True))
    return x / jnp.maximum(n, eps)


def setup_inputs(seed: int = 0) -> dict:
    key = jax.random.key(seed)
    k1, k2, k3 = jax.random.split(key, 3)
    return {
        "new_t1_feats_list": jax.random.normal(k1, (L, N1, D), dtype=jnp.float32),
        "new_t2_feats_list": jax.random.normal(k2, (L, N2, D), dtype=jnp.float32),
        "gt_labels": jnp.zeros((E,), dtype=jnp.int32),
        "edge_idxs": jax.random.randint(k3, (E, 2), 0, N2, dtype=jnp.int32),
        "mask_trk_gt": jnp.zeros((E,), dtype=bool),
        "edge_batch_idx_offsets": jnp.zeros((2 * E,), dtype=jnp.int32),
    }


def reference(new_t1_feats_list, new_t2_feats_list, gt_labels, edge_idxs, mask_trk_gt, edge_batch_idx_offsets):
    # Faithful translation of NodeNCEHead.forward.
    # In torch the first args are python lists of per-copy feature tensors; here they are
    # stacked as [L, N, D] and flattened exactly like torch.concat(list, dim=0).
    num_deep_loss = new_t1_feats_list.shape[0]
    num_t1_nodes = new_t1_feats_list.shape[1]
    num_t2_nodes = new_t2_feats_list.shape[1]
    new_t1_feats = new_t1_feats_list.reshape(-1, new_t1_feats_list.shape[-1])
    new_t2_feats = new_t2_feats_list.reshape(-1, new_t2_feats_list.shape[-1])
    norm_new_t1_feats = _normalize(new_t1_feats)
    norm_new_t2_feats = _normalize(new_t2_feats)
    # torch: if gt_labels.sum() == 0: return torch.tensor(0)
    # NOTE: with gt_labels.sum() != 0 the original torch module raises a runtime shape
    # error inside nn.CrossEntropyLoss (logits is [U, topk_det] while labels is
    # labels.repeat(4, 1) -> [4, U]), so that path is unreachable for any valid run;
    # setup_inputs always supplies all-zero gt_labels, making the zero branch the only
    # reachable one. The select keeps the traced dependence on gt_labels expressed.
    s = jnp.sum(gt_labels)
    return jnp.where(s == 0, jnp.zeros((), dtype=jnp.float32), s.astype(jnp.float32))

if __name__ == "__main__":
    import jax
    _d = setup_inputs()
    print(jax.jit(kernel)(*tuple(_d.values())))

</pallas_src>

<mosaic_0001>
#map = affine_map<(d0, d1) -> (0, 0)>
#map1 = affine_map<(d0, d1) -> (0)>
module attributes {stable_mosaic.version = 14 : i64} {
  func.func @_sum_body(%arg0: i32, %arg1: i32, %arg2: memref<12500x16xi32, #tpu.memory_space<hbm>>, %arg3: memref<16x16xi32, #tpu.memory_space<hbm>>, %arg4: memref<16xf32, #tpu.memory_space<hbm>>, %arg5: memref<784x16xi32, #tpu.memory_space<vmem>>, %arg6: memref<16xi32, #tpu.memory_space<vmem>>, %arg7: memref<16x16xi32, #tpu.memory_space<vmem>>, %arg8: memref<16xf32, #tpu.memory_space<vmem>>, %arg9: memref<!tpu.dma_semaphore, #tpu.memory_space<semaphore_mem>>, %arg10: memref<!tpu.dma_semaphore, #tpu.memory_space<semaphore_mem>>) attributes {dimension_semantics = [#tpu.dimension_semantics<core_parallel>, #tpu.dimension_semantics<subcore_parallel>], iteration_bounds = array<i64: 1, 16>, scalar_prefetch = 0 : i64, scratch_operands = 6 : i64, tpu.core_type = #tpu.core_type<sc_vector_subcore>, window_params = [{transform_indices = #map}, {transform_indices = #map}, {transform_indices = #map1}]} {
    %mul3A = arith.constant 784 : i32
    %mul3A_0 = arith.muli %mul3A, %arg1 : i32
    %multiple_of3A = tpu.assume_multiple %mul3A_0, 8 : i32
    %add3A = arith.constant 392 : i32
    %add3A_1 = arith.addi %multiple_of3A, %add3A : i32
    %multiple_of3A_2 = tpu.assume_multiple %add3A_1, 8 : i32
    %dma_start3A = arith.constant 0 : i32
    %dma_start3A_3 = arith.constant 0 : i32
    %dma_start3A_4 = tpu.memref_slice %arg5[%dma_start3A, %dma_start3A_3] : memref<784x16xi32, #tpu.memory_space<vmem>> -> memref<392x16xi32, #tpu.memory_space<vmem>>
    %dma_start3A_5 = arith.constant 0 : i32
    %dma_start3A_6 = tpu.memref_slice %arg2[%multiple_of3A, %dma_start3A_5] : memref<12500x16xi32, #tpu.memory_space<hbm>> -> memref<392x16xi32, #tpu.memory_space<hbm>>
    %dma_start3A_7 = arith.constant 0 : i32
    %dma_start3A_8 = arith.constant 0 : i32
    %dma_start3A_9 = tpu.memref_slice %arg5[%dma_start3A_7, %dma_start3A_8] : memref<784x16xi32, #tpu.memory_space<vmem>> -> memref<392x16xi32, #tpu.memory_space<vmem>>
    %dma_start3A_10 = arith.constant 0 : i32
    %dma_start3A_11 = tpu.memref_slice %arg2[%multiple_of3A, %dma_start3A_10] : memref<12500x16xi32, #tpu.memory_space<hbm>> -> memref<392x16xi32, #tpu.memory_space<hbm>>
    tpu.enqueue_dma source(%dma_start3A_11 : memref<392x16xi32, #tpu.memory_space<hbm>>) target(%dma_start3A_9 : memref<392x16xi32, #tpu.memory_space<vmem>>) target_semaphore(%arg9 : memref<!tpu.dma_semaphore, #tpu.memory_space<semaphore_mem>>)
    %lt3A = arith.constant 15 : i32
    %lt3A_12 = arith.cmpi slt, %arg1, %lt3A : i32
    %convert_element_type3A = arith.extui %lt3A_12 : i1 to i32
    %cond3A = arith.constant 0 : i32
    %cond3A_13 = arith.cmpi ne, %convert_element_type3A, %cond3A : i32
    scf.if %cond3A_13 {
      %dma_start3A_67 = arith.constant 392 : i32
      %dma_start3A_68 = arith.constant 0 : i32
      %dma_start3A_69 = tpu.memref_slice %arg5[%dma_start3A_67, %dma_start3A_68] : memref<784x16xi32, #tpu.memory_space<vmem>> -> memref<392x16xi32, #tpu.memory_space<vmem>>
      %dma_start3A_70 = arith.constant 0 : i32
      %dma_start3A_71 = tpu.memref_slice %arg2[%multiple_of3A_2, %dma_start3A_70] : memref<12500x16xi32, #tpu.memory_space<hbm>> -> memref<392x16xi32, #tpu.memory_space<hbm>>
      %dma_start3A_72 = arith.constant 392 : i32
      %dma_start3A_73 = arith.constant 0 : i32
      %dma_start3A_74 = tpu.memref_slice %arg5[%dma_start3A_72, %dma_start3A_73] : memref<784x16xi32, #tpu.memory_space<vmem>> -> memref<392x16xi32, #tpu.memory_space<vmem>>
      %dma_start3A_75 = arith.constant 0 : i32
      %dma_start3A_76 = tpu.memref_slice %arg2[%multiple_of3A_2, %dma_start3A_75] : memref<12500x16xi32, #tpu.memory_space<hbm>> -> memref<392x16xi32, #tpu.memory_space<hbm>>
      tpu.enqueue_dma source(%dma_start3A_76 : memref<392x16xi32, #tpu.memory_space<hbm>>) target(%dma_start3A_74 : memref<392x16xi32, #tpu.memory_space<vmem>>) target_semaphore(%arg10 : memref<!tpu.dma_semaphore, #tpu.memory_space<semaphore_mem>>)
    } else {
    }
    %eq3A = arith.constant 15 : i32
    %eq3A_14 = arith.cmpi eq, %arg1, %eq3A : i32
    %convert_element_type3A_15 = arith.extui %eq3A_14 : i1 to i32
    %cond3A_16 = arith.constant 0 : i32
    %cond3A_17 = arith.cmpi ne, %convert_element_type3A_15, %cond3A_16 : i32
    scf.if %cond3A_17 {
      %dma_start3A_67 = arith.constant 392 : i32
      %dma_start3A_68 = arith.constant 0 : i32
      %dma_start3A_69 = tpu.memref_slice %arg5[%dma_start3A_67, %dma_start3A_68] : memref<784x16xi32, #tpu.memory_space<vmem>> -> memref<348x16xi32, #tpu.memory_space<vmem>>
      %dma_start3A_70 = arith.constant 0 : i32
      %dma_start3A_71 = tpu.memref_slice %arg2[%multiple_of3A_2, %dma_start3A_70] : memref<12500x16xi32, #tpu.memory_space<hbm>> -> memref<348x16xi32, #tpu.memory_space<hbm>>
      %dma_start3A_72 = arith.constant 392 : i32
      %dma_start3A_73 = arith.constant 0 : i32
      %dma_start3A_74 = tpu.memref_slice %arg5[%dma_start3A_72, %dma_start3A_73] : memref<784x16xi32, #tpu.memory_space<vmem>> -> memref<348x16xi32, #tpu.memory_space<vmem>>
      %dma_start3A_75 = arith.constant 0 : i32
      %dma_start3A_76 = tpu.memref_slice %arg2[%multiple_of3A_2, %dma_start3A_75] : memref<12500x16xi32, #tpu.memory_space<hbm>> -> memref<348x16xi32, #tpu.memory_space<hbm>>
      tpu.enqueue_dma source(%dma_start3A_76 : memref<348x16xi32, #tpu.memory_space<hbm>>) target(%dma_start3A_74 : memref<348x16xi32, #tpu.memory_space<vmem>>) target_semaphore(%arg10 : memref<!tpu.dma_semaphore, #tpu.memory_space<semaphore_mem>>)
    } else {
    }
    %broadcast_in_dim3A = arith.constant 0 : i32
    %broadcast_in_dim3A_18 = vector.broadcast %broadcast_in_dim3A : i32 to vector<16xi32>
    %dma_wait3A = arith.constant 0 : i32
    %dma_wait3A_19 = arith.constant 0 : i32
    %dma_wait3A_20 = tpu.memref_slice %arg5[%dma_wait3A, %dma_wait3A_19] : memref<784x16xi32, #tpu.memory_space<vmem>> -> memref<392x16xi32, #tpu.memory_space<vmem>>
    %dma_wait3A_21 = arith.constant 0 : i32
    %dma_wait3A_22 = tpu.memref_slice %arg2[%multiple_of3A, %dma_wait3A_21] : memref<12500x16xi32, #tpu.memory_space<hbm>> -> memref<392x16xi32, #tpu.memory_space<hbm>>
    %dma_wait3A_23 = arith.constant 0 : i32
    %dma_wait3A_24 = arith.constant 0 : i32
    %dma_wait3A_25 = tpu.memref_slice %arg5[%dma_wait3A_23, %dma_wait3A_24] : memref<784x16xi32, #tpu.memory_space<vmem>> -> memref<392x16xi32, #tpu.memory_space<vmem>>
    %dma_wait3A_26 = arith.constant 0 : i32
    %dma_wait3A_27 = tpu.memref_slice %arg2[%multiple_of3A, %dma_wait3A_26] : memref<12500x16xi32, #tpu.memory_space<hbm>> -> memref<392x16xi32, #tpu.memory_space<hbm>>
    tpu.wait_dma2 semaphore(%arg9 : memref<!tpu.dma_semaphore, #tpu.memory_space<semaphore_mem>>) src(%dma_wait3A_27 : memref<392x16xi32, #tpu.memory_space<hbm>>) dst(%dma_wait3A_25 : memref<392x16xi32, #tpu.memory_space<vmem>>)
    %scan3A = arith.constant 0 : i32
    %scan3A_28 = arith.constant 98 : i32
    %scan3A_29 = arith.addi %scan3A, %scan3A_28 : i32
    %scan3A_30 = arith.constant 1 : i32
    %scan3A_31:4 = scf.for %scan3A_67 = %scan3A to %scan3A_29 step %scan3A_30 iter_args(%scan3A_68 = %broadcast_in_dim3A_18, %scan3A_69 = %broadcast_in_dim3A_18, %scan3A_70 = %broadcast_in_dim3A_18, %scan3A_71 = %broadcast_in_dim3A_18) -> (vector<16xi32>, vector<16xi32>, vector<16xi32>, vector<16xi32>)  : i32 {
      %mul3A_72 = arith.constant 4 : i32
      %mul3A_73 = arith.muli %scan3A_67, %mul3A_72 : i32
      %get3A = arith.index_cast %mul3A_73 : i32 to index
      %get3A_74 = arith.constant 0 : index
      %get3A_75 = tpu.vector_load %arg5[%get3A, %get3A_74] {strides = array<i32>} : memref<784x16xi32, #tpu.memory_space<vmem>>, vector<1x16xi32>,
      %get3A_76 = vector.shape_cast %get3A_75 : vector<1x16xi32> to vector<16xi32>
      %add3A_77 = arith.addi %scan3A_68, %get3A_76 : vector<16xi32>
      %add3A_78 = arith.constant 1 : i32
      %add3A_79 = arith.addi %mul3A_73, %add3A_78 : i32
      %get3A_80 = arith.index_cast %add3A_79 : i32 to index
      %get3A_81 = arith.constant 0 : index
      %get3A_82 = tpu.vector_load %arg5[%get3A_80, %get3A_81] {strides = array<i32>} : memref<784x16xi32, #tpu.memory_space<vmem>>, vector<1x16xi32>,
      %get3A_83 = vector.shape_cast %get3A_82 : vector<1x16xi32> to vector<16xi32>
      %add3A_84 = arith.addi %scan3A_69, %get3A_83 : vector<16xi32>
      %add3A_85 = arith.constant 2 : i32
      %add3A_86 = arith.addi %mul3A_73, %add3A_85 : i32
      %get3A_87 = arith.index_cast %add3A_86 : i32 to index
      %get3A_88 = arith.constant 0 : index
      %get3A_89 = tpu.vector_load %arg5[%get3A_87, %get3A_88] {strides = array<i32>} : memref<784x16xi32, #tpu.memory_space<vmem>>, vector<1x16xi32>,
      %get3A_90 = vector.shape_cast %get3A_89 : vector<1x16xi32> to vector<16xi32>
      %add3A_91 = arith.addi %scan3A_70, %get3A_90 : vector<16xi32>
      %add3A_92 = arith.constant 3 : i32
      %add3A_93 = arith.addi %mul3A_73, %add3A_92 : i32
      %get3A_94 = arith.index_cast %add3A_93 : i32 to index
      %get3A_95 = arith.constant 0 : index
      %get3A_96 = tpu.vector_load %arg5[%get3A_94, %get3A_95] {strides = array<i32>} : memref<784x16xi32, #tpu.memory_space<vmem>>, vector<1x16xi32>,
      %get3A_97 = vector.shape_cast %get3A_96 : vector<1x16xi32> to vector<16xi32>
      %add3A_98 = arith.addi %scan3A_71, %get3A_97 : vector<16xi32>
      scf.yield %add3A_77, %add3A_84, %add3A_91, %add3A_98 : vector<16xi32>, vector<16xi32>, vector<16xi32>, vector<16xi32>
    }
    %scan3A_32 = arith.constant 98 : i32
    %lt3A_33 = arith.constant 15 : i32
    %lt3A_34 = arith.cmpi slt, %arg1, %lt3A_33 : i32
    %convert_element_type3A_35 = arith.extui %lt3A_34 : i1 to i32
    %cond3A_36 = arith.constant 0 : i32
    %cond3A_37 = arith.cmpi ne, %convert_element_type3A_35, %cond3A_36 : i32
    scf.if %cond3A_37 {
      %dma_wait3A_67 = arith.constant 392 : i32
      %dma_wait3A_68 = arith.constant 0 : i32
      %dma_wait3A_69 = tpu.memref_slice %arg5[%dma_wait3A_67, %dma_wait3A_68] : memref<784x16xi32, #tpu.memory_space<vmem>> -> memref<392x16xi32, #tpu.memory_space<vmem>>
      %dma_wait3A_70 = arith.constant 0 : i32
      %dma_wait3A_71 = tpu.memref_slice %arg2[%multiple_of3A_2, %dma_wait3A_70] : memref<12500x16xi32, #tpu.memory_space<hbm>> -> memref<392x16xi32, #tpu.memory_space<hbm>>
      %dma_wait3A_72 = arith.constant 392 : i32
      %dma_wait3A_73 = arith.constant 0 : i32
      %dma_wait3A_74 = tpu.memref_slice %arg5[%dma_wait3A_72, %dma_wait3A_73] : memref<784x16xi32, #tpu.memory_space<vmem>> -> memref<392x16xi32, #tpu.memory_space<vmem>>
      %dma_wait3A_75 = arith.constant 0 : i32
      %dma_wait3A_76 = tpu.memref_slice %arg2[%multiple_of3A_2, %dma_wait3A_75] : memref<12500x16xi32, #tpu.memory_space<hbm>> -> memref<392x16xi32, #tpu.memory_space<hbm>>
      tpu.wait_dma2 semaphore(%arg10 : memref<!tpu.dma_semaphore, #tpu.memory_space<semaphore_mem>>) src(%dma_wait3A_76 : memref<392x16xi32, #tpu.memory_space<hbm>>) dst(%dma_wait3A_74 : memref<392x16xi32, #tpu.memory_space<vmem>>)
    } else {
    }
    %eq3A_38 = arith.constant 15 : i32
    %eq3A_39 = arith.cmpi eq, %arg1, %eq3A_38 : i32
    %convert_element_type3A_40 = arith.extui %eq3A_39 : i1 to i32
    %cond3A_41 = arith.constant 0 : i32
    %cond3A_42 = arith.cmpi ne, %convert_element_type3A_40, %cond3A_41 : i32
    scf.if %cond3A_42 {
      %dma_wait3A_67 = arith.constant 392 : i32
      %dma_wait3A_68 = arith.constant 0 : i32
      %dma_wait3A_69 = tpu.memref_slice %arg5[%dma_wait3A_67, %dma_wait3A_68] : memref<784x16xi32, #tpu.memory_space<vmem>> -> memref<348x16xi32, #tpu.memory_space<vmem>>
      %dma_wait3A_70 = arith.constant 0 : i32
      %dma_wait3A_71 = tpu.memref_slice %arg2[%multiple_of3A_2, %dma_wait3A_70] : memref<12500x16xi32, #tpu.memory_space<hbm>> -> memref<348x16xi32, #tpu.memory_space<hbm>>
      %dma_wait3A_72 = arith.constant 392 : i32
      %dma_wait3A_73 = arith.constant 0 : i32
      %dma_wait3A_74 = tpu.memref_slice %arg5[%dma_wait3A_72, %dma_wait3A_73] : memref<784x16xi32, #tpu.memory_space<vmem>> -> memref<348x16xi32, #tpu.memory_space<vmem>>
      %dma_wait3A_75 = arith.constant 0 : i32
      %dma_wait3A_76 = tpu.memref_slice %arg2[%multiple_of3A_2, %dma_wait3A_75] : memref<12500x16xi32, #tpu.memory_space<hbm>> -> memref<348x16xi32, #tpu.memory_space<hbm>>
      tpu.wait_dma2 semaphore(%arg10 : memref<!tpu.dma_semaphore, #tpu.memory_space<semaphore_mem>>) src(%dma_wait3A_76 : memref<348x16xi32, #tpu.memory_space<hbm>>) dst(%dma_wait3A_74 : memref<348x16xi32, #tpu.memory_space<vmem>>)
    } else {
    }
    %eq3A_43 = arith.constant 15 : i32
    %eq3A_44 = arith.cmpi eq, %arg1, %eq3A_43 : i32
    %jit3A = arith.constant 185 : i32
    %jit3A_45 = arith.constant 196 : i32
    %select_n3A = arith.select %eq3A_44, %jit3A, %jit3A_45 : i32
    %while3A = arith.constant 98 : i32
    %while3A_46 = arith.subi %select_n3A, %while3A : i32
    %while3A_47 = arith.addi %while3A, %while3A_46 : i32
    %while3A_48 = arith.constant 1 : i32
    %while3A_49 = arith.divsi %while3A_46, %while3A_48 : i32
    %while3A_50 = arith.muli %while3A_49, %while3A_48 : i32
    %while3A_51 = arith.addi %while3A, %while3A_50 : i32
    %while3A_52 = arith.constant 1 : i32
    %while3A_53:4 = scf.for %while3A_67 = %while3A to %while3A_51 step %while3A_52 iter_args(%while3A_68 = %scan3A_31#0, %while3A_69 = %scan3A_31#1, %while3A_70 = %scan3A_31#2, %while3A_71 = %scan3A_31#3) -> (vector<16xi32>, vector<16xi32>, vector<16xi32>, vector<16xi32>)  : i32 {
      %mul3A_72 = arith.constant 4 : i32
      %mul3A_73 = arith.muli %while3A_67, %mul3A_72 : i32
      %get3A = arith.index_cast %mul3A_73 : i32 to index
      %get3A_74 = arith.constant 0 : index
      %get3A_75 = tpu.vector_load %arg5[%get3A, %get3A_74] {strides = array<i32>} : memref<784x16xi32, #tpu.memory_space<vmem>>, vector<1x16xi32>,
      %get3A_76 = vector.shape_cast %get3A_75 : vector<1x16xi32> to vector<16xi32>
      %add3A_77 = arith.addi %while3A_68, %get3A_76 : vector<16xi32>
      %add3A_78 = arith.constant 1 : i32
      %add3A_79 = arith.addi %mul3A_73, %add3A_78 : i32
      %get3A_80 = arith.index_cast %add3A_79 : i32 to index
      %get3A_81 = arith.constant 0 : index
      %get3A_82 = tpu.vector_load %arg5[%get3A_80, %get3A_81] {strides = array<i32>} : memref<784x16xi32, #tpu.memory_space<vmem>>, vector<1x16xi32>,
      %get3A_83 = vector.shape_cast %get3A_82 : vector<1x16xi32> to vector<16xi32>
      %add3A_84 = arith.addi %while3A_69, %get3A_83 : vector<16xi32>
      %add3A_85 = arith.constant 2 : i32
      %add3A_86 = arith.addi %mul3A_73, %add3A_85 : i32
      %get3A_87 = arith.index_cast %add3A_86 : i32 to index
      %get3A_88 = arith.constant 0 : index
      %get3A_89 = tpu.vector_load %arg5[%get3A_87, %get3A_88] {strides = array<i32>} : memref<784x16xi32, #tpu.memory_space<vmem>>, vector<1x16xi32>,
      %get3A_90 = vector.shape_cast %get3A_89 : vector<1x16xi32> to vector<16xi32>
      %add3A_91 = arith.addi %while3A_70, %get3A_90 : vector<16xi32>
      %add3A_92 = arith.constant 3 : i32
      %add3A_93 = arith.addi %mul3A_73, %add3A_92 : i32
      %get3A_94 = arith.index_cast %add3A_93 : i32 to index
      %get3A_95 = arith.constant 0 : index
      %get3A_96 = tpu.vector_load %arg5[%get3A_94, %get3A_95] {strides = array<i32>} : memref<784x16xi32, #tpu.memory_space<vmem>>, vector<1x16xi32>,
      %get3A_97 = vector.shape_cast %get3A_96 : vector<1x16xi32> to vector<16xi32>
      %add3A_98 = arith.addi %while3A_71, %get3A_97 : vector<16xi32>
      scf.yield %add3A_77, %add3A_84, %add3A_91, %add3A_98 : vector<16xi32>, vector<16xi32>, vector<16xi32>, vector<16xi32>
    }
    %while3A_54 = arith.constant 1 : i32
    %while3A_55:4 = scf.for %while3A_67 = %while3A_51 to %while3A_47 step %while3A_54 iter_args(%while3A_68 = %while3A_53#0, %while3A_69 = %while3A_53#1, %while3A_70 = %while3A_53#2, %while3A_71 = %while3A_53#3) -> (vector<16xi32>, vector<16xi32>, vector<16xi32>, vector<16xi32>)  : i32 {
      %mul3A_72 = arith.constant 4 : i32
      %mul3A_73 = arith.muli %while3A_67, %mul3A_72 : i32
      %get3A = arith.index_cast %mul3A_73 : i32 to index
      %get3A_74 = arith.constant 0 : index
      %get3A_75 = tpu.vector_load %arg5[%get3A, %get3A_74] {strides = array<i32>} : memref<784x16xi32, #tpu.memory_space<vmem>>, vector<1x16xi32>,
      %get3A_76 = vector.shape_cast %get3A_75 : vector<1x16xi32> to vector<16xi32>
      %add3A_77 = arith.addi %while3A_68, %get3A_76 : vector<16xi32>
      %add3A_78 = arith.constant 1 : i32
      %add3A_79 = arith.addi %mul3A_73, %add3A_78 : i32
      %get3A_80 = arith.index_cast %add3A_79 : i32 to index
      %get3A_81 = arith.constant 0 : index
      %get3A_82 = tpu.vector_load %arg5[%get3A_80, %get3A_81] {strides = array<i32>} : memref<784x16xi32, #tpu.memory_space<vmem>>, vector<1x16xi32>,
      %get3A_83 = vector.shape_cast %get3A_82 : vector<1x16xi32> to vector<16xi32>
      %add3A_84 = arith.addi %while3A_69, %get3A_83 : vector<16xi32>
      %add3A_85 = arith.constant 2 : i32
      %add3A_86 = arith.addi %mul3A_73, %add3A_85 : i32
      %get3A_87 = arith.index_cast %add3A_86 : i32 to index
      %get3A_88 = arith.constant 0 : index
      %get3A_89 = tpu.vector_load %arg5[%get3A_87, %get3A_88] {strides = array<i32>} : memref<784x16xi32, #tpu.memory_space<vmem>>, vector<1x16xi32>,
      %get3A_90 = vector.shape_cast %get3A_89 : vector<1x16xi32> to vector<16xi32>
      %add3A_91 = arith.addi %while3A_70, %get3A_90 : vector<16xi32>
      %add3A_92 = arith.constant 3 : i32
      %add3A_93 = arith.addi %mul3A_73, %add3A_92 : i32
      %get3A_94 = arith.index_cast %add3A_93 : i32 to index
      %get3A_95 = arith.constant 0 : index
      %get3A_96 = tpu.vector_load %arg5[%get3A_94, %get3A_95] {strides = array<i32>} : memref<784x16xi32, #tpu.memory_space<vmem>>, vector<1x16xi32>,
      %get3A_97 = vector.shape_cast %get3A_96 : vector<1x16xi32> to vector<16xi32>
      %add3A_98 = arith.addi %while3A_71, %get3A_97 : vector<16xi32>
      scf.yield %add3A_77, %add3A_84, %add3A_91, %add3A_98 : vector<16xi32>, vector<16xi32>, vector<16xi32>, vector<16xi32>
    }
    %add3A_56 = arith.addi %while3A_55#0, %while3A_55#1 : vector<16xi32>
    %add3A_57 = arith.addi %while3A_55#2, %while3A_55#3 : vector<16xi32>
    %add3A_58 = arith.addi %add3A_56, %add3A_57 : vector<16xi32>
    %swap3A = arith.constant 0 : index
    %swap3A_59 = tpu.vector_load %arg6[%swap3A] {strides = array<i32>} : memref<16xi32, #tpu.memory_space<vmem>>, vector<16xi32>,
    %swap3A_60 = vector.shape_cast %swap3A_59 : vector<16xi32> to vector<16xi32>
    %swap3A_61 = vector.shape_cast %add3A_58 : vector<16xi32> to vector<16xi32>
    tpu.vector_store %arg6[%swap3A], %swap3A_61 {strides = array<i32>} : memref<16xi32, #tpu.memory_space<vmem>>, vector<16xi32>,
    "tpu.region"() ({
      %run_scoped3A = tpu.sem_alloc : memref<!tpu.dma_semaphore, #tpu.memory_space<semaphore_mem>>
      %dma_start3A_67 = arith.constant 0 : i32
      %dma_start3A_68 = tpu.memref_slice %arg3[%arg1, %dma_start3A_67] : memref<16x16xi32, #tpu.memory_space<hbm>> -> memref<1x16xi32, #tpu.memory_space<hbm>>
      %dma_start3A_69 = tpu.memref_squeeze %dma_start3A_68 : memref<1x16xi32, #tpu.memory_space<hbm>> -> memref<16xi32, #tpu.memory_space<hbm>>
      %dma_start3A_70 = arith.constant 0 : i32
      %dma_start3A_71 = tpu.memref_slice %arg3[%arg1, %dma_start3A_70] : memref<16x16xi32, #tpu.memory_space<hbm>> -> memref<1x16xi32, #tpu.memory_space<hbm>>
      %dma_start3A_72 = tpu.memref_squeeze %dma_start3A_71 : memref<1x16xi32, #tpu.memory_space<hbm>> -> memref<16xi32, #tpu.memory_space<hbm>>
      tpu.enqueue_dma source(%arg6 : memref<16xi32, #tpu.memory_space<vmem>>) target(%dma_start3A_72 : memref<16xi32, #tpu.memory_space<hbm>>) target_semaphore(%run_scoped3A : memref<!tpu.dma_semaphore, #tpu.memory_space<semaphore_mem>>)
      %dma_wait3A_73 = arith.constant 0 : i32
      %dma_wait3A_74 = tpu.memref_slice %arg3[%arg1, %dma_wait3A_73] : memref<16x16xi32, #tpu.memory_space<hbm>> -> memref<1x16xi32, #tpu.memory_space<hbm>>
      %dma_wait3A_75 = tpu.memref_squeeze %dma_wait3A_74 : memref<1x16xi32, #tpu.memory_space<hbm>> -> memref<16xi32, #tpu.memory_space<hbm>>
      %dma_wait3A_76 = arith.constant 0 : i32
      %dma_wait3A_77 = tpu.memref_slice %arg3[%arg1, %dma_wait3A_76] : memref<16x16xi32, #tpu.memory_space<hbm>> -> memref<1x16xi32, #tpu.memory_space<hbm>>
      %dma_wait3A_78 = tpu.memref_squeeze %dma_wait3A_77 : memref<1x16xi32, #tpu.memory_space<hbm>> -> memref<16xi32, #tpu.memory_space<hbm>>
      tpu.wait_dma2 semaphore(%run_scoped3A : memref<!tpu.dma_semaphore, #tpu.memory_space<semaphore_mem>>) src(%arg6 : memref<16xi32, #tpu.memory_space<vmem>>) dst(%dma_wait3A_78 : memref<16xi32, #tpu.memory_space<hbm>>)
      tpu.yield
    }) : () -> ()
    %barrier3A = arith.constant 0 : index
    tpu.barrier barrier_id(%barrier3A)
    %eq3A_62 = arith.constant 0 : i32
    %eq3A_63 = arith.cmpi eq, %arg1, %eq3A_62 : i32
    %convert_element_type3A_64 = arith.extui %eq3A_63 : i1 to i32
    %cond3A_65 = arith.constant 0 : i32
    %cond3A_66 = arith.cmpi ne, %convert_element_type3A_64, %cond3A_65 : i32
    scf.if %cond3A_66 {
      "tpu.region"() ({
        %run_scoped3A = tpu.sem_alloc : memref<!tpu.dma_semaphore, #tpu.memory_space<semaphore_mem>>
        tpu.enqueue_dma source(%arg3 : memref<16x16xi32, #tpu.memory_space<hbm>>) target(%arg7 : memref<16x16xi32, #tpu.memory_space<vmem>>) target_semaphore(%run_scoped3A : memref<!tpu.dma_semaphore, #tpu.memory_space<semaphore_mem>>)
        tpu.wait_dma2 semaphore(%run_scoped3A : memref<!tpu.dma_semaphore, #tpu.memory_space<semaphore_mem>>) src(%arg3 : memref<16x16xi32, #tpu.memory_space<hbm>>) dst(%arg7 : memref<16x16xi32, #tpu.memory_space<vmem>>)
        tpu.yield
      }) : () -> ()
      %get3A = arith.constant 0 : i32
      %get3A_67 = arith.index_cast %get3A : i32 to index
      %get3A_68 = arith.constant 0 : index
      %get3A_69 = tpu.vector_load %arg7[%get3A_67, %get3A_68] {strides = array<i32>} : memref<16x16xi32, #tpu.memory_space<vmem>>, vector<1x16xi32>,
      %get3A_70 = vector.shape_cast %get3A_69 : vector<1x16xi32> to vector<16xi32>
      %get3A_71 = arith.constant 1 : i32
      %get3A_72 = arith.index_cast %get3A_71 : i32 to index
      %get3A_73 = arith.constant 0 : index
      %get3A_74 = tpu.vector_load %arg7[%get3A_72, %get3A_73] {strides = array<i32>} : memref<16x16xi32, #tpu.memory_space<vmem>>, vector<1x16xi32>,
      %get3A_75 = vector.shape_cast %get3A_74 : vector<1x16xi32> to vector<16xi32>
      %add3A_76 = arith.addi %get3A_70, %get3A_75 : vector<16xi32>
      %get3A_77 = arith.constant 2 : i32
      %get3A_78 = arith.index_cast %get3A_77 : i32 to index
      %get3A_79 = arith.constant 0 : index
      %get3A_80 = tpu.vector_load %arg7[%get3A_78, %get3A_79] {strides = array<i32>} : memref<16x16xi32, #tpu.memory_space<vmem>>, vector<1x16xi32>,
      %get3A_81 = vector.shape_cast %get3A_80 : vector<1x16xi32> to vector<16xi32>
      %add3A_82 = arith.addi %add3A_76, %get3A_81 : vector<16xi32>
      %get3A_83 = arith.constant 3 : i32
      %get3A_84 = arith.index_cast %get3A_83 : i32 to index
      %get3A_85 = arith.constant 0 : index
      %get3A_86 = tpu.vector_load %arg7[%get3A_84, %get3A_85] {strides = array<i32>} : memref<16x16xi32, #tpu.memory_space<vmem>>, vector<1x16xi32>,
      %get3A_87 = vector.shape_cast %get3A_86 : vector<1x16xi32> to vector<16xi32>
      %add3A_88 = arith.addi %add3A_82, %get3A_87 : vector<16xi32>
      %get3A_89 = arith.constant 4 : i32
      %get3A_90 = arith.index_cast %get3A_89 : i32 to index
      %get3A_91 = arith.constant 0 : index
      %get3A_92 = tpu.vector_load %arg7[%get3A_90, %get3A_91] {strides = array<i32>} : memref<16x16xi32, #tpu.memory_space<vmem>>, vector<1x16xi32>,
      %get3A_93 = vector.shape_cast %get3A_92 : vector<1x16xi32> to vector<16xi32>
      %add3A_94 = arith.addi %add3A_88, %get3A_93 : vector<16xi32>
      %get3A_95 = arith.constant 5 : i32
      %get3A_96 = arith.index_cast %get3A_95 : i32 to index
      %get3A_97 = arith.constant 0 : index
      %get3A_98 = tpu.vector_load %arg7[%get3A_96, %get3A_97] {strides = array<i32>} : memref<16x16xi32, #tpu.memory_space<vmem>>, vector<1x16xi32>,
      %get3A_99 = vector.shape_cast %get3A_98 : vector<1x16xi32> to vector<16xi32>
      %add3A_100 = arith.addi %add3A_94, %get3A_99 : vector<16xi32>
      %get3A_101 = arith.constant 6 : i32
      %get3A_102 = arith.index_cast %get3A_101 : i32 to index
      %get3A_103 = arith.constant 0 : index
      %get3A_104 = tpu.vector_load %arg7[%get3A_102, %get3A_103] {strides = array<i32>} : memref<16x16xi32, #tpu.memory_space<vmem>>, vector<1x16xi32>,
      %get3A_105 = vector.shape_cast %get3A_104 : vector<1x16xi32> to vector<16xi32>
      %add3A_106 = arith.addi %add3A_100, %get3A_105 : vector<16xi32>
      %get3A_107 = arith.constant 7 : i32
      %get3A_108 = arith.index_cast %get3A_107 : i32 to index
      %get3A_109 = arith.constant 0 : index
      %get3A_110 = tpu.vector_load %arg7[%get3A_108, %get3A_109] {strides = array<i32>} : memref<16x16xi32, #tpu.memory_space<vmem>>, vector<1x16xi32>,
      %get3A_111 = vector.shape_cast %get3A_110 : vector<1x16xi32> to vector<16xi32>
      %add3A_112 = arith.addi %add3A_106, %get3A_111 : vector<16xi32>
      %get3A_113 = arith.constant 8 : i32
      %get3A_114 = arith.index_cast %get3A_113 : i32 to index
      %get3A_115 = arith.constant 0 : index
      %get3A_116 = tpu.vector_load %arg7[%get3A_114, %get3A_115] {strides = array<i32>} : memref<16x16xi32, #tpu.memory_space<vmem>>, vector<1x16xi32>,
      %get3A_117 = vector.shape_cast %get3A_116 : vector<1x16xi32> to vector<16xi32>
      %add3A_118 = arith.addi %add3A_112, %get3A_117 : vector<16xi32>
      %get3A_119 = arith.constant 9 : i32
      %get3A_120 = arith.index_cast %get3A_119 : i32 to index
      %get3A_121 = arith.constant 0 : index
      %get3A_122 = tpu.vector_load %arg7[%get3A_120, %get3A_121] {strides = array<i32>} : memref<16x16xi32, #tpu.memory_space<vmem>>, vector<1x16xi32>,
      %get3A_123 = vector.shape_cast %get3A_122 : vector<1x16xi32> to vector<16xi32>
      %add3A_124 = arith.addi %add3A_118, %get3A_123 : vector<16xi32>
      %get3A_125 = arith.constant 10 : i32
      %get3A_126 = arith.index_cast %get3A_125 : i32 to index
      %get3A_127 = arith.constant 0 : index
      %get3A_128 = tpu.vector_load %arg7[%get3A_126, %get3A_127] {strides = array<i32>} : memref<16x16xi32, #tpu.memory_space<vmem>>, vector<1x16xi32>,
      %get3A_129 = vector.shape_cast %get3A_128 : vector<1x16xi32> to vector<16xi32>
      %add3A_130 = arith.addi %add3A_124, %get3A_129 : vector<16xi32>
      %get3A_131 = arith.constant 11 : i32
      %get3A_132 = arith.index_cast %get3A_131 : i32 to index
      %get3A_133 = arith.constant 0 : index
      %get3A_134 = tpu.vector_load %arg7[%get3A_132, %get3A_133] {strides = array<i32>} : memref<16x16xi32, #tpu.memory_space<vmem>>, vector<1x16xi32>,
      %get3A_135 = vector.shape_cast %get3A_134 : vector<1x16xi32> to vector<16xi32>
      %add3A_136 = arith.addi %add3A_130, %get3A_135 : vector<16xi32>
      %get3A_137 = arith.constant 12 : i32
      %get3A_138 = arith.index_cast %get3A_137 : i32 to index
      %get3A_139 = arith.constant 0 : index
      %get3A_140 = tpu.vector_load %arg7[%get3A_138, %get3A_139] {strides = array<i32>} : memref<16x16xi32, #tpu.memory_space<vmem>>, vector<1x16xi32>,
      %get3A_141 = vector.shape_cast %get3A_140 : vector<1x16xi32> to vector<16xi32>
      %add3A_142 = arith.addi %add3A_136, %get3A_141 : vector<16xi32>
      %get3A_143 = arith.constant 13 : i32
      %get3A_144 = arith.index_cast %get3A_143 : i32 to index
      %get3A_145 = arith.constant 0 : index
      %get3A_146 = tpu.vector_load %arg7[%get3A_144, %get3A_145] {strides = array<i32>} : memref<16x16xi32, #tpu.memory_space<vmem>>, vector<1x16xi32>,
      %get3A_147 = vector.shape_cast %get3A_146 : vector<1x16xi32> to vector<16xi32>
      %add3A_148 = arith.addi %add3A_142, %get3A_147 : vector<16xi32>
      %get3A_149 = arith.constant 14 : i32
      %get3A_150 = arith.index_cast %get3A_149 : i32 to index
      %get3A_151 = arith.constant 0 : index
      %get3A_152 = tpu.vector_load %arg7[%get3A_150, %get3A_151] {strides = array<i32>} : memref<16x16xi32, #tpu.memory_space<vmem>>, vector<1x16xi32>,
      %get3A_153 = vector.shape_cast %get3A_152 : vector<1x16xi32> to vector<16xi32>
      %add3A_154 = arith.addi %add3A_148, %get3A_153 : vector<16xi32>
      %get3A_155 = arith.constant 15 : i32
      %get3A_156 = arith.index_cast %get3A_155 : i32 to index
      %get3A_157 = arith.constant 0 : index
      %get3A_158 = tpu.vector_load %arg7[%get3A_156, %get3A_157] {strides = array<i32>} : memref<16x16xi32, #tpu.memory_space<vmem>>, vector<1x16xi32>,
      %get3A_159 = vector.shape_cast %get3A_158 : vector<1x16xi32> to vector<16xi32>
      %add3A_160 = arith.addi %add3A_154, %get3A_159 : vector<16xi32>
      %slice3A = vector.extract_strided_slice %add3A_160 {offsets = [0], sizes = [1], strides = [1]} : vector<16xi32> to vector<1xi32>
      %squeeze3A = vector.extract %slice3A[0] : i32 from vector<1xi32>
      %slice3A_161 = vector.extract_strided_slice %add3A_160 {offsets = [1], sizes = [1], strides = [1]} : vector<16xi32> to vector<1xi32>
      %squeeze3A_162 = vector.extract %slice3A_161[0] : i32 from vector<1xi32>
      %add3A_163 = arith.addi %squeeze3A, %squeeze3A_162 : i32
      %slice3A_164 = vector.extract_strided_slice %add3A_160 {offsets = [2], sizes = [1], strides = [1]} : vector<16xi32> to vector<1xi32>
      %squeeze3A_165 = vector.extract %slice3A_164[0] : i32 from vector<1xi32>
      %add3A_166 = arith.addi %add3A_163, %squeeze3A_165 : i32
      %slice3A_167 = vector.extract_strided_slice %add3A_160 {offsets = [3], sizes = [1], strides = [1]} : vector<16xi32> to vector<1xi32>
      %squeeze3A_168 = vector.extract %slice3A_167[0] : i32 from vector<1xi32>
      %add3A_169 = arith.addi %add3A_166, %squeeze3A_168 : i32
      %slice3A_170 = vector.extract_strided_slice %add3A_160 {offsets = [4], sizes = [1], strides = [1]} : vector<16xi32> to vector<1xi32>
      %squeeze3A_171 = vector.extract %slice3A_170[0] : i32 from vector<1xi32>
      %add3A_172 = arith.addi %add3A_169, %squeeze3A_171 : i32
      %slice3A_173 = vector.extract_strided_slice %add3A_160 {offsets = [5], sizes = [1], strides = [1]} : vector<16xi32> to vector<1xi32>
      %squeeze3A_174 = vector.extract %slice3A_173[0] : i32 from vector<1xi32>
      %add3A_175 = arith.addi %add3A_172, %squeeze3A_174 : i32
      %slice3A_176 = vector.extract_strided_slice %add3A_160 {offsets = [6], sizes = [1], strides = [1]} : vector<16xi32> to vector<1xi32>
      %squeeze3A_177 = vector.extract %slice3A_176[0] : i32 from vector<1xi32>
      %add3A_178 = arith.addi %add3A_175, %squeeze3A_177 : i32
      %slice3A_179 = vector.extract_strided_slice %add3A_160 {offsets = [7], sizes = [1], strides = [1]} : vector<16xi32> to vector<1xi32>
      %squeeze3A_180 = vector.extract %slice3A_179[0] : i32 from vector<1xi32>
      %add3A_181 = arith.addi %add3A_178, %squeeze3A_180 : i32
      %slice3A_182 = vector.extract_strided_slice %add3A_160 {offsets = [8], sizes = [1], strides = [1]} : vector<16xi32> to vector<1xi32>
      %squeeze3A_183 = vector.extract %slice3A_182[0] : i32 from vector<1xi32>
      %add3A_184 = arith.addi %add3A_181, %squeeze3A_183 : i32
      %slice3A_185 = vector.extract_strided_slice %add3A_160 {offsets = [9], sizes = [1], strides = [1]} : vector<16xi32> to vector<1xi32>
      %squeeze3A_186 = vector.extract %slice3A_185[0] : i32 from vector<1xi32>
      %add3A_187 = arith.addi %add3A_184, %squeeze3A_186 : i32
      %slice3A_188 = vector.extract_strided_slice %add3A_160 {offsets = [10], sizes = [1], strides = [1]} : vector<16xi32> to vector<1xi32>
      %squeeze3A_189 = vector.extract %slice3A_188[0] : i32 from vector<1xi32>
      %add3A_190 = arith.addi %add3A_187, %squeeze3A_189 : i32
      %slice3A_191 = vector.extract_strided_slice %add3A_160 {offsets = [11], sizes = [1], strides = [1]} : vector<16xi32> to vector<1xi32>
      %squeeze3A_192 = vector.extract %slice3A_191[0] : i32 from vector<1xi32>
      %add3A_193 = arith.addi %add3A_190, %squeeze3A_192 : i32
      %slice3A_194 = vector.extract_strided_slice %add3A_160 {offsets = [12], sizes = [1], strides = [1]} : vector<16xi32> to vector<1xi32>
      %squeeze3A_195 = vector.extract %slice3A_194[0] : i32 from vector<1xi32>
      %add3A_196 = arith.addi %add3A_193, %squeeze3A_195 : i32
      %slice3A_197 = vector.extract_strided_slice %add3A_160 {offsets = [13], sizes = [1], strides = [1]} : vector<16xi32> to vector<1xi32>
      %squeeze3A_198 = vector.extract %slice3A_197[0] : i32 from vector<1xi32>
      %add3A_199 = arith.addi %add3A_196, %squeeze3A_198 : i32
      %slice3A_200 = vector.extract_strided_slice %add3A_160 {offsets = [14], sizes = [1], strides = [1]} : vector<16xi32> to vector<1xi32>
      %squeeze3A_201 = vector.extract %slice3A_200[0] : i32 from vector<1xi32>
      %add3A_202 = arith.addi %add3A_199, %squeeze3A_201 : i32
      %slice3A_203 = vector.extract_strided_slice %add3A_160 {offsets = [15], sizes = [1], strides = [1]} : vector<16xi32> to vector<1xi32>
      %squeeze3A_204 = vector.extract %slice3A_203[0] : i32 from vector<1xi32>
      %add3A_205 = arith.addi %add3A_202, %squeeze3A_204 : i32
      %eq3A_206 = arith.constant 0 : i32
      %eq3A_207 = arith.cmpi eq, %add3A_205, %eq3A_206 : i32
      %convert_element_type3A_208 = arith.sitofp %add3A_205 : i32 to f32
      %jit3A_209 = arith.constant 0.000000e+00 : f32
      %select_n3A_210 = arith.select %eq3A_207, %jit3A_209, %convert_element_type3A_208 : f32
      %broadcast_in_dim3A_211 = vector.broadcast %select_n3A_210 : f32 to vector<16xf32>
      %swap3A_212 = arith.constant 0 : index
      %swap3A_213 = tpu.vector_load %arg8[%swap3A_212] {strides = array<i32>} : memref<16xf32, #tpu.memory_space<vmem>>, vector<16xf32>,
      %swap3A_214 = vector.shape_cast %swap3A_213 : vector<16xf32> to vector<16xf32>
      %swap3A_215 = vector.shape_cast %broadcast_in_dim3A_211 : vector<16xf32> to vector<16xf32>
      tpu.vector_store %arg8[%swap3A_212], %swap3A_215 {strides = array<i32>} : memref<16xf32, #tpu.memory_space<vmem>>, vector<16xf32>,
      "tpu.region"() ({
        %run_scoped3A = tpu.sem_alloc : memref<!tpu.dma_semaphore, #tpu.memory_space<semaphore_mem>>
        tpu.enqueue_dma source(%arg8 : memref<16xf32, #tpu.memory_space<vmem>>) target(%arg4 : memref<16xf32, #tpu.memory_space<hbm>>) target_semaphore(%run_scoped3A : memref<!tpu.dma_semaphore, #tpu.memory_space<semaphore_mem>>)
        tpu.wait_dma2 semaphore(%run_scoped3A : memref<!tpu.dma_semaphore, #tpu.memory_space<semaphore_mem>>) src(%arg8 : memref<16xf32, #tpu.memory_space<vmem>>) dst(%arg4 : memref<16xf32, #tpu.memory_space<hbm>>)
        tpu.yield
      }) : () -> ()
    } else {
    }
    return
  }
}

</mosaic_0001>

<sc_bundles>
// kernel: kernel.3.cloned.1.call-start
scs
__scs_entry_jumppad:
0x0: {  	(pc) =	sbr.rel $0x88, $3  }
0x1: {  	(tag) =	ssettag $0x0;
	lr =	simm.s32 $0x1  }
0x2: {  	[smem:$0x3FA0] =	sst lr;
	_ =	strace $0xD0000000  }
0x3: {  	_ = 	snop  }
0x4: {  	_ = 	snop  }
0x5: {  	_ = 	snop  }
0x6: {  	_ = 	snop  }
0x7: {  	_ = 	snop  }
__scs_overlays_trampoline_lowered:
0x8: {  	[smem:$0x3FAF] =	sst s0  }
0x9: {  	[smem:$0x3FB0] =	sst s1  }
0xa: {  	[smem:$0x3FB1] =	sst s2  }
0xb: {  	[smem:$0x3FB2] =	sst s3  }
0xc: {  	[smem:$0x3FB3] =	sst s4  }
0xd: {  	[smem:$0x3FB4] =	sst s5  }
0xe: {  	[smem:$0x3FB5] =	sst s6  }
0xf: {  	[smem:$0x3FB6] =	sst s7  }
0x10: {  	[smem:$0x3FB7] =	sst s8  }
0x11: {  	[smem:$0x3FB8] =	sst s9;
	s0 =	simm.s32 @!p0 $0x0  }
0x12: {  	s1 =	sld [smem:$0x3F9E];
	s0 =	simm.s32 @p0 $0x1  }
0x13: {  	[smem:$0x3FB9] =	sst s0;
	s0 =	simm.s32 @!p1 $0x0  }
0x14: {  	s2 =	sld [smem:$0x3F9D];
	s0 =	simm.s32 @p1 $0x1  }
0x15: {  	[smem:$0x3FBA] =	sst s0;
	s0 =	simm.s32 @!p2 $0x0  }
0x16: {  	s3 =	sld [smem:$0x3FDB];
	s0 =	simm.s32 @p2 $0x1  }
0x17: {  	s4 =	simm.s32 $0x1BF5;
	[smem:$0x3FBC] =	sst s0  }
0x18: {  	s0 =	sld [smem:$0x3F9F];
	_ =	swait.ge [sflag:s4], $0x0  }
0x19: {  	s7 =	sld [smem:$0x3FA0]  }
0x1a: {  	s8 =	sadd.s32 $0xFFFFE003, lr  }
0x1b: {  	s9 =	sadd.s32 $0xFFFFFEF7, lr;
	s5 =	simm.s32 $0xFFFFFFFF;
	p2 =	slt.u32 s8, $0xFFFFF086  }
0x1c: {  	p1 =	slt.u32 s9, $0xF7A;
	s5 =	simm.s32 @!p2 $0x0  }
0x1d: {  	s5 =	simm.s32 @p1 $0x1;
	p0 =	seq.s32 s7, s2  }
0x1e: {  	s7 =	smul.u32 @!p0 $0xF7A, s2;
	p2 =	seq.s32 @!p0 s5, $0x0  }
0x1f: {  	s9 =	smul.u32 $0xF7A, s1;
	s8 =	simm.s32 @!p0 $0x1BF5;
	p2 =	por !p2, p0  }
0x20: {  	[sflag:s8] =	ssyncset.s32 @!p0 $0xFFFFF086;
	s6 =	sadd.s32 @!p0 s3, s7;
	s7 =	simm.s32 @!p0 $0x108  }
0x21: {  	s3 =	sadd.s32 s3, s9;
	s6 =	sadd.s32 @!p0 $0x88, s6;
	s7 =	simm.s32 @p2 $0x1082  }
0x22: {  	[simem:s7], [sflag:s8] =	dma.local @!p0 [hbm:s6], $0xF7A  }
0x23: {  	s9 =	sor.u32 $0xD0000000, s2;
	s6 =	simm.s32 $0x108;
	_ =	swait.ge @!p0 [sflag:s8], $0x0  }
0x24: {  	s3 =	sadd.s32 $0x88, s3;
	s6 =	simm.s32 @!p1 $0x1082;
	[sflag:s4] =	ssyncset.s32 $0xFFFFF086  }
0x25: {  	[simem:s6], [sflag:s4] =	dma.local [hbm:s3], $0xF7A  }
0x26: {  	[smem:$0x3FA0] =	sst s1;
	(tag) =	ssettag s2;
	_ =	strace s9  }
0x27: {  	s1 =	sld [smem:$0x3FB0]  }
0x28: {  	s2 =	sld [smem:$0x3FB1]  }
0x29: {  	s4 =	sld [smem:$0x3FB3]  }
0x2a: {  	p0 =	seq.s32 s5, $0x0;
	s5 =	sld [smem:$0x3FB4]  }
0x2b: {  	s6 =	sld [smem:$0x3FB5]  }
0x2c: {  	s7 =	sld [smem:$0x3FB6]  }
0x2d: {  	s3 =	simm.s32 $0x108;
	s8 =	sld [smem:$0x3FB7]  }
0x2e: {  	s3 =	simm.s32 @!p0 $0x1082;
	s9 =	sld [smem:$0x3FB8]  }
0x2f: {  	lr =	sadd.s32 s0, s3;
	s0 =	sld [smem:$0x3FAF]  }
0x30: {  	s3 =	sld [smem:$0x3FB2]  }
0x31: {  	[smem:$0x3FBB] =	sst s10  }
0x32: {  	s10 =	sld [smem:$0x3FB9];
	_ =	sdelay $0x3  }
0x33: {  	p0 =	seq.s32 s10, $0x1;
	s10 =	sld [smem:$0x3FBB];
	_ =	sdelay $0x3  }
0x34: {  	[smem:$0x3FBB] =	sst s10  }
0x35: {  	s10 =	sld [smem:$0x3FBA];
	_ =	sdelay $0x3  }
0x36: {  	p1 =	seq.s32 s10, $0x1;
	s10 =	sld [smem:$0x3FBB];
	_ =	sdelay $0x3  }
0x37: {  	[smem:$0x3FBB] =	sst s10  }
0x38: {  	s10 =	sld [smem:$0x3FBC]  }
0x39: {  	_ = 	snop;
	(pc) =	sbr.ind lr, $3  }
0x3a: {  	_ = 	snop  }
0x3b: {  	_ = 	snop  }
0x3c: {  	p2 =	seq.s32 s10, $0x1;
	s10 =	sld [smem:$0x3FBB]  }
0x3d: {  	_ =	shalt  }
0x3e: {  	_ =	shalt  }
0x3f: {  	_ =	shalt  }
0x40: {  	_ =	shalt  }
0x41: {  	_ =	shalt  }
0x42: {  	_ =	shalt  }
0x43: {  	_ =	shalt  }
0x44: {  	_ =	shalt  }
0x45: {  	_ =	shalt  }
0x46: {  	_ =	shalt  }
0x47: {  	_ =	shalt  }
0x48: {  	_ =	shalt  }
0x49: {  	_ =	shalt  }
0x4a: {  	_ =	shalt  }
0x4b: {  	_ =	shalt  }
0x4c: {  	_ =	shalt  }
0x4d: {  	_ =	shalt  }
0x4e: {  	_ =	shalt  }
0x4f: {  	_ =	shalt  }
0x50: {  	_ =	shalt  }
0x51: {  	_ =	shalt  }
0x52: {  	_ =	shalt  }
0x53: {  	_ =	shalt  }
0x54: {  	_ =	shalt  }
0x55: {  	_ =	shalt  }
0x56: {  	_ =	shalt  }
0x57: {  	_ =	shalt  }
0x58: {  	_ =	shalt  }
0x59: {  	_ =	shalt  }
0x5a: {  	_ =	shalt  }
0x5b: {  	_ =	shalt  }
0x5c: {  	_ =	shalt  }
0x5d: {  	_ =	shalt  }
0x5e: {  	_ =	shalt  }
0x5f: {  	_ =	shalt  }
0x60: {  	_ =	shalt  }
0x61: {  	_ =	shalt  }
0x62: {  	_ =	shalt  }
0x63: {  	_ =	shalt  }
0x64: {  	_ =	shalt  }
0x65: {  	_ =	shalt  }
0x66: {  	_ =	shalt  }
0x67: {  	_ =	shalt  }
0x68: {  	_ =	shalt  }
0x69: {  	_ =	shalt  }
0x6a: {  	_ =	shalt  }
0x6b: {  	_ =	shalt  }
0x6c: {  	_ =	shalt  }
0x6d: {  	_ =	shalt  }
0x6e: {  	_ =	shalt  }
0x6f: {  	_ =	shalt  }
0x70: {  	_ =	shalt  }
0x71: {  	_ =	shalt  }
0x72: {  	_ =	shalt  }
0x73: {  	_ =	shalt  }
0x74: {  	_ =	shalt  }
0x75: {  	_ =	shalt  }
0x76: {  	_ =	shalt  }
0x77: {  	_ =	shalt  }
0x78: {  	_ =	shalt  }
0x79: {  	_ =	shalt  }
0x7a: {  	_ =	shalt  }
0x7b: {  	_ =	shalt  }
0x7c: {  	_ =	shalt  }
0x7d: {  	_ =	shalt  }
0x7e: {  	_ =	shalt  }
0x7f: {  	_ =	shalt  }
0x80: {  	_ =	shalt  }
0x81: {  	_ =	shalt  }
0x82: {  	_ =	shalt  }
0x83: {  	_ =	shalt  }
0x84: {  	_ =	shalt  }
0x85: {  	_ =	shalt  }
0x86: {  	_ =	shalt  }
0x87: {  	_ =	shalt  }
.Lfunc_end0:
.L_simem_size_0:
called_computation_lowered:
.L_overlay_start_0:
0x88: {  	s0 =	sld [smem:$0x3FD9]  }
0x89: {  	s1 =	sld [smem:$0x3FFE];
	_ =	sdelay $0x3  }
0x8a: {  	s0 =	sadd.s32 s1, s0  }
0x8b: {  	[smem:$0x3FC7] =	sst s0  }
0x8c: {  	_ = 	snop  }
0x8d: {  	s0 =	sld [smem:$0x3FC9]  }
0x8e: {  	s16 =	sld [smem:$0x3FD0];
	(tm) =	ssettm $0x1  }
0x8f: {  	s2 =	sld [smem:$0x3FFB];
	_ =	sdelay $0x3  }
0x90: {  	_ =	strace s2  }
0x91: {  	s2 =	sld [smem:$0x3FFC];
	_ =	sdelay $0x3  }
0x92: {  	_ =	strace s2  }
0x93: {  	s2 =	sld [smem:$0x3FFD];
	_ =	sdelay $0x3  }
0x94: {  	_ =	strace s2  }
0x95: {  	_ =	strace $0x8FFFFFFF  }
0x96: {  	s17 =	sld [smem:$0x3FDB];
	_ =	sdelay $0x1  }
0x97: {  	s3 =	simm.s32 $_scs_section_size  }
0x98: {  	s4 =	simm.s32 $_size__tile_overlayer_lowered;
	s5 =	simm.s32 $_tile_overlayer_lowered  }
0x99: {  	s20 =	simm.s32 $0x1BFF;
	s19 =	sshll.u32 s5, $0x1;
	s2 =	sadd.s32 s3, s17  }
0x9a: {  	s6 =	simm.s32 $0x0;
	s18 =	sshll.u32 s4, $0x1;
	s4 =	sadd.s32 s19, s2  }
0x9b: {  	[timem:s6], [sflag:s20] =	dma.local [hbm:s4], s18  }
0x9c: {  	_ =	swait.ge [sflag:s20], s18  }
0x9d: {  	s3 =	ssub.s32 $0x0, s18;
	[sflag:s20] =	ssyncset.done $0x0  }
0x9e: {  	[sflag:s20] =	ssyncadd.s32 s3;
	_ =	sdelay $0x1  }
0x9f: {  	s21 =	simm.s32 $0x1B8B  }
0xa0: {  	_ =	swait.ge [sflag:s21], $0x1  }
0xa1: {  	[sflag:s21] =	ssyncset.done $0x0  }
0xa2: {  	s23 =	simm.s32 $0x1B8E;
	s22 =	sld [smem:$0x3FFE];
	[sflag:s21] =	ssyncadd.s32 $0xFFFFFFFF  }
0xa3: {  	s24 =	simm.s32 $execute0_lowered;
	[smem:$0x3FD2] =	sst s23  }
0xa4: {  	s4 =	sshll.u32 s24, $0x1;
	_ =	strace $0x80000046;
	[dreg:$0x1] =	wrdreg $0xFFFFFFFF  }
0xa5: {  	s25 =	simm.s32 $_size_execute0_lowered;
	s2 =	sadd.s32 s2, s4;
	[dreg:$0x0] =	wrdreg $0x0  }
0xa6: {  	s4 =	sshll.u32 s25, $0x1;
	[dreg:$0x2] =	wrdreg s2  }
0xa7: {  	[dreg:$0x3] =	wrdreg s4  }
0xa8: {  	[dreg:$0x4] =	wrdreg $0xC0  }
0xa9: {  	_ =	task [dreg:s6], $0x5FFFF  }
0xaa: {  	[dreg:$0x1] =	wrdreg $0xFFFFFFFF  }
0xab: {  	[dreg:$0x0] =	wrdreg $0x60  }
0xac: {  	[dreg:$0x2] =	wrdreg s0  }
0xad: {  	[dreg:$0x3] =	wrdreg s22  }
0xae: {  	[dreg:$0x4] =	wrdreg s16  }
0xaf: {  	[dreg:$0x5] =	wrdreg $0x9  }
0xb0: {  	_ =	task.clear_ibuf [dreg:s6], $0x6FFFF;
	_ =	strace $0x90000046  }
0xb1: {  	s26 =	simm.s32 $0x9;
	_ =	strace $0x80000048  }
0xb2: {  	_ =	swait.ge [sflag:s26], $0x1  }
0xb3: {  	[sflag:s26] =	ssyncadd.s32 $0xFFFFFFFF  }
0xb4: {  	_ =	strace $0x90000048  }
0xb5: {  	_ =	sfence  }
0xb6: {  	s28 =	sld [smem:$0x0];
	_ =	sdelay $0x1  }
0xb7: {  	s29 =	srdreg.scid  }
0xb8: {  	s30 =	sshll.u32 s29, $0xD;
	s31 =	sshrl.u32 s29, $0x2  }
0xb9: {  	s1 =	sand.u32 $0x1, s29;
	s2 =	sand.u32 $0x4000, s30;
	s0 =	sadd.s32 s31, s28  }
0xba: {  	s1 =	sor.u32 s2, s1;
	s0 =	sshll.u32 s0, $0x11  }
0xbb: {  	s0 =	sor.u32 s0, s1  }
0xbc: {  	s0 =	sadd.s32 $0x8F2B, s0  }
0xbd: {  	[sflag:s0] =	ssyncadd.remote.s32 $0x1  }
0xbe: {  	_ =	sfence.sel $0xFFFF  }
0xbf: {  	[dreg:$0x0] =	wrdreg $0xFFFFFFFF;
	(pc) =	sbr.abs _section_cstart, $3  }
0xc0: {  	[dreg:$0x1] =	wrdreg $0xFFFFFFFF  }
0xc1: {  	_ =	task.clear_ibuf [dreg:s6], $0x2FFFF;
	_ =	strace $0x9FFFFFFF  }
0xc2: {  	(tm) =	ssettm $0x7FFFFFFF  }
0xc3: {  	_ =	shalt  }
tec
execute0_lowered:
.L_overlay_start_1:
0x0: {  	(tag) =	ssettag $0x1  }
0x1: {  	s3 =	rddreg [dreg:$0x0]  }
0x2: {  	s4 =	rddreg [dreg:$0x1]  }
0x3: {  	s1 =	rddreg [dreg:$0x2];
	s2 =	stileid.u32  }
0x4: {  	s0 =	rddreg [dreg:$0x3];
	s5 =	simm.s32 $0x0;
	s6 =	smul.u32 $0x620, s2  }
0x5: {  	s29 =	simm.s32 $0x1;
	[smem:$0x7FF] =	sst s5;
	p0 =	seq.s32 s2, $0xF  }
0x6: {  	_ =	strace $0x80000047;
	s8 =	simm.s32 @p0 $0x1880;
	s7 =	sadd.s32 s3, s6  }
0x7: {  	[tilespmem:s5], [sflag:$0x1] =	stream.linear.gather [hbm4b:s7+s5], $0x1880, $0x38;
	[tilespmem:$0x3220] =	vst v63  }
0x8: {  	s5 =	sadd.s32 @p0 $0x5EF0, s3;
	s7 =	simm.s32 @p0 $0x0;
	s3 =	sadd.s32 @!p0 s6, s3  }
0x9: {  	[tilespmem:s8], [sflag:$0x2] =	stream.linear.gather @p0 [hbm4b:s5+s7], $0x15C0, $0x38;
	[tilespmem:$0x3220] =	vst v63  }
0xa: {  	s6 =	simm.s32 @!p0 $0x1880;
	s3 =	sadd.s32 @!p0 $0x310, s3;
	s5 =	simm.s32 @!p0 $0x0  }
0xb: {  	[tilespmem:s6], [sflag:$0x2] =	stream.linear.gather @!p0 [hbm4b:s3+s5], $0x1880, $0x38;
	[tilespmem:$0x3220] =	vst v63  }
0xc: {  	_ =	swait.ge [sflag:s29], $0x1880  }
0xd: {  	[sflag:s29] =	ssyncset.done $0x0  }
0xe: {  	s30 =	simm.s32 $0x0;
	[sflag:s29] =	ssyncadd.s32 $0xFFFFE780  }
0xf: {  	v0 =	vld [tilespmem:s30+$0x30]  }
0x10: {  	v1 =	vld [tilespmem:s30+$0x0]  }
0x11: {  	v3 =	vimm.s32 $0x0;
	s31 =	sshll.u32 s2, $0x1;
	s5 =	sadd.s32 $0x800, s4;
	v2 =	vld [tilespmem:s30+$0x10]  }
0x12: {  	v7 =	vimm.s32 $0x0;
	v5 =	vimm.s32 $0x0;
	v6 =	vimm.s32 $0x0;
	s3 =	simm.s32 $0x100;
	s4 =	sadd.s32 s5, s31;
	v4 =	vld [tilespmem:s30+$0x20]  }
.LBB2_1:
0x13: {  	p1 =	sne.s32 s3, $0x6100  }
.Ltmp0:
0x14: {  	s6 =	sshra.s32 s3, $0x2;
	s3 =	sadd.s32 $0x100, s3;
	v3 =	vadd.s32 v3, v0;
	(pc) =	sbr.rel @p1 .LBB2_1-.Ltmp0, $4  }
0x15: {  	v0 =	vld [tilespmem:s6+$0x30];
	v7 =	vadd.s32 v7, v1  }
0x16: {  	v1 =	vld [tilespmem:s6+$0x0];
	v5 =	vadd.s32 v5, v2  }
0x17: {  	v2 =	vld [tilespmem:s6+$0x10];
	v6 =	vadd.s32 v6, v4  }
0x18: {  	v4 =	vld [tilespmem:s6+$0x20]  }
0x19: {  	s3 =	simm.s32 @p0 $0x2  }
0x1a: {  	_ =	swait.ge @p0 [sflag:s3], $0x15C0  }
0x1b: {  	[sflag:s3] =	ssyncset.done @p0 $0x0  }
0x1c: {  	[sflag:s3] =	ssyncadd.s32 @p0 $0xFFFFEA40;
	s3 =	simm.s32 @!p0 $0x2  }
0x1d: {  	_ =	swait.ge @!p0 [sflag:s3], $0x1880  }
0x1e: {  	[sflag:s3] =	ssyncset.done @!p0 $0x0  }
0x1f: {  	[sflag:s3] =	ssyncadd.s32 @!p0 $0xFFFFE780;
	s3 =	simm.s32 @!p0 $0xC4  }
0x20: {  	s3 =	simm.s32 @p0 $0xB9  }
0x21: {  	s6 =	simm.s32 $0x18B0;
	s3 =	sadd.s32 $0xFFFFFF9E, s3  }
0x22: {  	v9 =	vld [tilespmem:s6+$0x0];
	p0 =	sne.s32 s3, $0x1  }
.Ltmp1:
0x23: {  	v8 =	vld [tilespmem:s6+$0xFFFFFFE0];
	(pc) =	sbr.rel @!p0 .LBB2_4-.Ltmp1, $3  }
0x24: {  	v3 =	vadd.s32 v3, v0;
	v0 =	vadd.s32 v7, v1;
	v1 =	vld [tilespmem:s6+$0xFFFFFFF0]  }
0x25: {  	v5 =	vadd.s32 v5, v2;
	v2 =	vadd.s32 v6, v4;
	v4 =	vld [tilespmem:s6+$0xFFFFFFD0];
	_ =	sdelay $0x1  }
0x26: {  	s6 =	simm.s32 $0x18F0;
	s3 =	sadd.s32 $0xFFFFFFFF, s3;
	v3 =	vadd.s32 v3, v9  }
.LBB2_3:
0x27: {  	v6 =	vld [tilespmem:s6+$0x0];
	p0 =	sne.s32 s3, $0x1;
	s3 =	sadd.s32 $0xFFFFFFFF, s3;
	v5 =	vadd.s32 v5, v8  }
.Ltmp2:
0x28: {  	v8 =	vld [tilespmem:s6+$0xFFFFFFE0];
	v2 =	vadd.s32 v2, v1;
	(pc) =	sbr.rel @p0 .LBB2_3-.Ltmp2, $3  }
0x29: {  	v1 =	vld [tilespmem:s6+$0xFFFFFFF0];
	v0 =	vadd.s32 v0, v4  }
0x2a: {  	v4 =	vld [tilespmem:s6+$0xFFFFFFD0];
	_ =	sdelay $0x1  }
0x2b: {  	s6 =	sadd.s32 $0x40, s6;
	v3 =	vadd.s32 v3, v6  }
.LBB2_4:
0x2c: {  	_ =	sdelay $0x1  }
0x2d: {  	v5 =	vadd.s32 v5, v8;
	v0 =	vadd.s32 v0, v4  }
0x2e: {  	v1 =	vadd.s32 v2, v1;
	v0 =	vadd.s32 v0, v5  }
0x2f: {  	v0 =	vadd.s32 v1, v0  }
0x30: {  	v0 =	vadd.s32 v3, v0  }
0x31: {  	s3 =	simm.s32 $0x0;
	s6 =	simm.s32 $0x3100;
	[tilespmem:$0x3100] =	vst v0  }
0x32: {  	[hbm4b:s4+s3] =	stream.linear.scatter [tilespmem:s6], [sflag:$0x3], $0x10, $0x38;
	[tilespmem:$0x3220] =	vst v63  }
0x33: {  	s4 =	simm.s32 $0x3  }
0x34: {  	_ =	swait.ge [sflag:s4], $0x10  }
0x35: {  	[sflag:s4] =	ssyncset.done $0x0  }
0x36: {  	[sflag:s4] =	ssyncadd.s32 $0xFFFFFFF0  }
0x37: {  	p0 =	sne.s32 s2, $0x0;
	[bflag:$0x0] =	sbarrier.arrive $0xFFFF  }
0x38: {  	_ =	sfence.sel @p0 $0x180000  }
0x39: {  	[bflag:$0x0] =	sbarrier.arrive @p0 $0xFFFF  }
0x3a: {  	_ =	strace @p0 $0x90000047  }
0x3b: {  	[bflag:$0x2] =	sbarrier.arrive @p0 $0xFFFF  }
0x3c: {  	_ =	shalt @p0  }
.LBB2_5:
0x3d: {  	s2 =	simm.s32 $0x3110  }
0x3e: {  	[tilespmem:s2], [sflag:$0x3] =	stream.linear.gather [hbm4b:s5+s3], $0x100, $0x38;
	[tilespmem:$0x3220] =	vst v63  }
0x3f: {  	_ =	swait.ge [sflag:s4], $0x100  }
0x40: {  	[sflag:s4] =	ssyncset.done $0x0  }
0x41: {  	[sflag:s4] =	ssyncadd.s32 $0xFFFFFF00  }
0x42: {  	v0 =	vld [tilespmem:$0x3110]  }
0x43: {  	v1 =	vld [tilespmem:$0x3120]  }
0x44: {  	v2 =	vld [tilespmem:$0x3130]  }
0x45: {  	v3 =	vld [tilespmem:$0x3140]  }
0x46: {  	v4 =	vld [tilespmem:$0x3150]  }
0x47: {  	v5 =	vld [tilespmem:$0x3160]  }
0x48: {  	v53 =	vld [tilespmem:$0x3170];
	v0 =	vadd.s32 v0, v1  }
0x49: {  	v54 =	vld [tilespmem:$0x3180];
	v0 =	vadd.s32 v2, v0  }
0x4a: {  	v55 =	vld [tilespmem:$0x3190];
	v0 =	vadd.s32 v3, v0  }
0x4b: {  	v56 =	vld [tilespmem:$0x31A0];
	v0 =	vadd.s32 v4, v0  }
0x4c: {  	v57 =	vld [tilespmem:$0x31B0];
	v0 =	vadd.s32 v5, v0  }
0x4d: {  	v58 =	vld [tilespmem:$0x31C0];
	v0 =	vadd.s32 v53, v0  }
0x4e: {  	v59 =	vld [tilespmem:$0x31D0];
	v0 =	vadd.s32 v54, v0  }
0x4f: {  	v60 =	vld [tilespmem:$0x31E0];
	v0 =	vadd.s32 v55, v0  }
0x50: {  	v61 =	vld [tilespmem:$0x31F0];
	v0 =	vadd.s32 v56, v0  }
0x51: {  	v62 =	vld [tilespmem:$0x3200];
	v0 =	vadd.s32 v57, v0  }
0x52: {  	v0 =	vadd.s32 v58, v0  }
0x53: {  	v0 =	vadd.s32 v59, v0  }
0x54: {  	v0 =	vadd.s32 v60, v0  }
0x55: {  	v0 =	vadd.s32 v61, v0  }
0x56: {  	v0 =	vadd.s32 v62, v0  }
0x57: {  	(v2sf) =	vpush v0, $0x0  }
0x58: {  	(v2sf) =	vpush v0, $0x1  }
0x59: {  	(v2sf) =	vpush v0, $0x2  }
0x5a: {  	(v2sf) =	vpush v0, $0x3  }
0x5b: {  	(v2sf) =	vpush v0, $0x4  }
0x5c: {  	(v2sf) =	vpush v0, $0x5  }
0x5d: {  	(v2sf) =	vpush v0, $0x6  }
0x5e: {  	(v2sf) =	vpush v0, $0x7  }
0x5f: {  	(v2sf) =	vpush v0, $0x8  }
0x60: {  	(v2sf) =	vpush v0, $0x9  }
0x61: {  	(v2sf) =	vpush v0, $0xA  }
0x62: {  	(v2sf) =	vpush v0, $0xB  }
0x63: {  	(v2sf) =	vpush v0, $0xC  }
0x64: {  	(v2sf) =	vpush v0, $0xD  }
0x65: {  	(v2sf) =	vpush v0, $0xE  }
0x66: {  	s14 =	spop (v2sf);
	(v2sf) =	vpush v0, $0xF  }
0x67: {  	s15 =	spop (v2sf)  }
0x68: {  	s2 =	sadd.s32 s15, s14;
	s16 =	spop (v2sf)  }
0x69: {  	s2 =	sadd.s32 s16, s2;
	s17 =	spop (v2sf)  }
0x6a: {  	s2 =	sadd.s32 s17, s2;
	s18 =	spop (v2sf)  }
0x6b: {  	s2 =	sadd.s32 s18, s2;
	s19 =	spop (v2sf)  }
0x6c: {  	s2 =	sadd.s32 s19, s2;
	s20 =	spop (v2sf)  }
0x6d: {  	s2 =	sadd.s32 s20, s2;
	s21 =	spop (v2sf)  }
0x6e: {  	s2 =	sadd.s32 s21, s2;
	s22 =	spop (v2sf)  }
0x6f: {  	s2 =	sadd.s32 s22, s2;
	s23 =	spop (v2sf)  }
0x70: {  	s2 =	sadd.s32 s23, s2;
	s24 =	spop (v2sf)  }
0x71: {  	s2 =	sadd.s32 s24, s2;
	s25 =	spop (v2sf)  }
0x72: {  	s2 =	sadd.s32 s25, s2;
	s26 =	spop (v2sf)  }
0x73: {  	s2 =	sadd.s32 s26, s2;
	s28 =	spop (v2sf)  }
0x74: {  	s2 =	sadd.s32 s28, s2;
	s29 =	spop (v2sf)  }
0x75: {  	s2 =	sadd.s32 s29, s2;
	s30 =	spop (v2sf)  }
0x76: {  	s2 =	sadd.s32 s30, s2  }
0x77: {  	s2 =	scvt.s32.f32 s2;
	_ =	sdelay $0x1  }
0x78: {  	v63 =	vmov s2  }
0x79: {  	s31 =	simm.s32 $0x3210;
	[tilespmem:$0x3210] =	vst v63  }
0x7a: {  	[hbm4b:s1+s3] =	stream.linear.scatter [tilespmem:s31], [sflag:$0x3], $0x10, $0x38;
	[tilespmem:$0x3220] =	vst v63  }
0x7b: {  	_ =	swait.ge [sflag:s4], $0x10  }
0x7c: {  	[sflag:s4] =	ssyncset.done $0x0  }
0x7d: {  	[sflag:s4] =	ssyncadd.s32 $0xFFFFFFF0  }
0x7e: {  	_ =	sfence.sel $0x180000  }
0x7f: {  	[bflag:$0x0] =	sbarrier.arrive $0xFFFF  }
0x80: {  	_ =	strace $0x90000047  }
0x81: {  	s0 =	sadd.s32 $0x100000, s0;
	[bflag:$0x2] =	sbarrier.arrive $0xFFFF  }
0x82: {  	[sflag:s0] =	ssyncadd.tile.s32 $0x1;
	_ =	shalt  }
.Lfunc_end2:
_tile_overlayer_lowered:
.L_overlay_start_2:
0x83: {  	(tag) =	ssettag $0x2  }
0x84: {  	s0 =	rddreg [dreg:$0x0];
	s2 =	stileid.u32  }
0x85: {  	s1 =	rddreg [dreg:$0x1];
	p0 =	sne.s32 s2, $0x0  }
0x86: {  	s3 =	rddreg [dreg:$0x2];
	[bflag:$0x3] =	sbarrier.arrive $0xFFFF;
	s2 =	simm.s32 @!p0 $0x1C03  }
0x87: {  	[timem:s3], [sflag:s2] =	dma.local @!p0 [hbm:s0], s1  }
0x88: {  	s0 =	simm.s32 @!p0 $0x3  }
0x89: {  	_ =	swait.ge @!p0 [sflag:s0], s1  }
0x8a: {  	s1 =	ssub.s32 @!p0 $0x0, s1;
	[sflag:s0] =	ssyncset.done @!p0 $0x0  }
0x8b: {  	[sflag:s0] =	ssyncadd.s32 @!p0 s1  }
0x8c: {  	[bflag:$0x3] =	sbarrier.arrive $0xFFFF  }
0x8d: {  	_ =	shalt  }

</sc_bundles>
